<compile_context>
chip_gen: v7x
topology: tpu7x:2x2x1
jax: 0.10.2.dev20260603
libtpu: 0.0.44.dev20260713+nightly
codegen_flags: <defaults>
</compile_context>

<pallas_src>
import functools

import jax
import jax.numpy as jnp
from jax import lax
from jax.experimental import pallas as pl
from jax.experimental.pallas import tpu as pltpu
from jax.experimental.pallas import tpu_sc as plsc

_GROUPS = 4
_BLK = 2048
_NC = 2
_NS = 16


def _vq_dist_body(z_ref, e_ref, i0_ref, i1_ref, i2_ref, i3_ref, acc_ref):
    zb = z_ref[...]
    e = e_ref[...]
    cd = e.shape[1]
    ne = e.shape[0]
    en = jnp.sum(e * e, axis=1)
    e2 = e + e
    ind_refs = (i0_ref, i1_ref, i2_ref, i3_ref)
    part = jnp.zeros((1, 1), jnp.float32)
    lane = lax.broadcasted_iota(jnp.int32, (zb.shape[0], ne), 1)
    for g in range(_GROUPS):
        zg = zb[:, g * cd:(g + 1) * cd]
        s2 = lax.dot_general(zg, e2, (((1,), (1,)), ((), ())),
                             preferred_element_type=jnp.float32)
        zn = jnp.sum(zg * zg, axis=1, keepdims=True)
        d = (zn - s2) + en[None, :]
        md = jnp.min(d, axis=1)
        ind_refs[g][...] = jnp.min(jnp.where(d == md[:, None], lane, ne),
                                   axis=1)
        part = part + jnp.sum(md).reshape(1, 1)

    @pl.when(pl.program_id(0) == 0)
    def _init():
        acc_ref[...] = part

    @pl.when(pl.program_id(0) != 0)
    def _accum():
        acc_ref[...] = acc_ref[...] + part


def _make_sc_gather(q_rows, d_full, cd, per_w):
    mesh = plsc.VectorSubcoreMesh(core_axis_name="c", subcore_axis_name="s",
                                  num_cores=_NC, num_subcores=_NS)

    @functools.partial(
        pl.kernel,
        out_type=jax.ShapeDtypeStruct((q_rows, d_full), jnp.float32),
        mesh=mesh,
        scratch_types=[
            pltpu.VMEM((per_w,), jnp.int32),
            pltpu.VMEM((per_w,), jnp.int32),
            pltpu.VMEM((per_w, cd), jnp.float32),
            pltpu.VMEM((per_w, cd), jnp.float32),
            pltpu.SemaphoreType.DMA,
            pltpu.SemaphoreType.DMA,
            pltpu.SemaphoreType.DMA,
            pltpu.SemaphoreType.DMA,
        ],
        compiler_params=pltpu.CompilerParams(use_tc_tiling_on_sc=False),
    )
    def sc_gather(table_hbm, i0_hbm, i1_hbm, i2_hbm, i3_hbm, out_hbm,
                  idx_a, idx_b, rows_a, rows_b, ga, gb, wa, wb):
        wid = lax.axis_index("s") * _NC + lax.axis_index("c")
        base = wid * per_w
        idx_hbms = (i0_hbm, i1_hbm, i2_hbm, i3_hbm)
        idxs = (idx_a, idx_b)
        rows = (rows_a, rows_b)
        gsems = (ga, gb)
        wsems = (wa, wb)

        def out_slice(g):
            return out_hbm.at[pl.ds(base, per_w), pl.ds(g * cd, cd)]

        gh = [None, None]
        wh = [None, None]
        for g in range(_GROUPS):
            buf = g & 1
            if wh[buf] is not None:
                wh[buf].wait()
            pltpu.sync_copy(idx_hbms[g].at[pl.ds(base, per_w)], idxs[buf])
            gh[buf] = pltpu.async_copy(table_hbm.at[idxs[buf]], rows[buf],
                                       gsems[buf])
            if g >= 1:
                prev = 1 - buf
                gh[prev].wait()
                wh[prev] = pltpu.async_copy(rows[prev], out_slice(g - 1),
                                            wsems[prev])
        last = (_GROUPS - 1) & 1
        gh[last].wait()
        wh[last] = pltpu.async_copy(rows[last], out_slice(_GROUPS - 1),
                                    wsems[last])
        wh[0].wait()
        wh[1].wait()

    return sc_gather


def kernel(z, embed_weight):
    b, n, d_full = z.shape
    cd = d_full // _GROUPS
    q_rows = b * n
    ne = embed_weight.shape[0]
    z2 = z.reshape(q_rows, d_full)
    grid = q_rows // _BLK

    ind_shape = jax.ShapeDtypeStruct((q_rows,), jnp.int32)
    ind_spec = pl.BlockSpec((_BLK,), lambda i: (i,))
    i0, i1, i2, i3, acc = pl.pallas_call(
        _vq_dist_body,
        grid=(grid,),
        in_specs=[
            pl.BlockSpec((_BLK, d_full), lambda i: (i, 0)),
            pl.BlockSpec((ne, cd), lambda i: (0, 0)),
        ],
        out_specs=[ind_spec, ind_spec, ind_spec, ind_spec,
                   pl.BlockSpec((1, 1), lambda i: (0, 0))],
        out_shape=[ind_shape, ind_shape, ind_shape, ind_shape,
                   jax.ShapeDtypeStruct((1, 1), jnp.float32)],
    )(z2, embed_weight)

    per_w = q_rows // (_NC * _NS)
    zq2 = _make_sc_gather(q_rows, d_full, cd, per_w)(
        embed_weight, i0, i1, i2, i3)

    mse = acc[0, 0] / (q_rows * d_full)
    diff = (0.25 * mse + mse) * 10.0
    zq = zq2.reshape(b, n, d_full)
    ind_out = jnp.stack([i0, i1, i2, i3], axis=1).reshape(n, b, _GROUPS)
    return zq, diff, ind_out

# --- scband reference (transcript-rebuilt; emitter-appended) ---
"""Pipeline reference for scband-quantize-22892175687681 (READ-ONLY COPY).

The authoritative reference and input builder live on the scoring server;
editing this copy changes nothing except your own understanding.
"""

import jax, jax.numpy as jnp
import numpy as np

B, N, D = 16, 1024, 256
GROUPS = 4
N_EMBED = 1024

def setup_inputs(seed: int = 0):
    key = jax.random.key(seed)
    k1, k2 = jax.random.split(key)
    z = jax.random.normal(k1, (B, N, D), dtype=jnp.float32)
    embed_weight = jax.random.normal(k2, (N_EMBED, D // GROUPS), dtype=jnp.float32) * 0.02
    return {"z": z, "embed_weight": embed_weight}

def reference(z, embed_weight):
    b, n, d = z.shape
    cd = d // GROUPS
    # reshape into grouped code vectors: (B*N*groups, d//groups)
    z_e = z.reshape(b * n * GROUPS, cd)
    flatten = z_e
    # squared L2 distance to every codebook entry
    dist = (jnp.sum(flatten ** 2, axis=1, keepdims=True)
            - 2.0 * flatten @ embed_weight.T
            + jnp.sum(embed_weight ** 2, axis=1)[None, :])
    ind = jnp.argmax(-dist, axis=1)
    z_q = jnp.take(embed_weight, ind, axis=0)
    commitment_cost = 0.25
    diff = (commitment_cost * jnp.mean((jax.lax.stop_gradient(z_q) - z_e) ** 2)
            + jnp.mean((z_q - jax.lax.stop_gradient(z_e)) ** 2))
    diff = diff * 10.0  # kld_scale
    # straight-through estimator
    z_q = z_e + jax.lax.stop_gradient(z_q - z_e)
    z_q = z_q.reshape(b, n, GROUPS, cd).reshape(b, n, d)
    # torch: ind.reshape(B, N, groups).view(N, B*groups) then .view(N, B, groups)
    # on contiguous memory this is a flat reshape to (N, B, groups)
    ind_out = ind.reshape(n, b, GROUPS)
    return (z_q, diff, ind_out)

if __name__ == "__main__":
    import jax
    _d = setup_inputs()
    print(jax.jit(kernel)(*tuple(_d.values())))

</pallas_src>

<mosaic_0001>
#map = affine_map<(d0, d1) -> (0, 0)>
#map1 = affine_map<(d0, d1) -> (0)>
module attributes {stable_mosaic.version = 14 : i64} {
  func.func @sc_gather(%arg0: i32, %arg1: i32, %arg2: memref<1024x64xf32, #tpu.memory_space<hbm>>, %arg3: memref<16384xi32, #tpu.memory_space<hbm>>, %arg4: memref<16384xi32, #tpu.memory_space<hbm>>, %arg5: memref<16384xi32, #tpu.memory_space<hbm>>, %arg6: memref<16384xi32, #tpu.memory_space<hbm>>, %arg7: memref<16384x256xf32, #tpu.memory_space<hbm>>, %arg8: memref<512xi32, #tpu.memory_space<vmem>>, %arg9: memref<512xi32, #tpu.memory_space<vmem>>, %arg10: memref<512x64xf32, #tpu.memory_space<vmem>>, %arg11: memref<512x64xf32, #tpu.memory_space<vmem>>, %arg12: memref<!tpu.dma_semaphore, #tpu.memory_space<semaphore_mem>>, %arg13: memref<!tpu.dma_semaphore, #tpu.memory_space<semaphore_mem>>, %arg14: memref<!tpu.dma_semaphore, #tpu.memory_space<semaphore_mem>>, %arg15: memref<!tpu.dma_semaphore, #tpu.memory_space<semaphore_mem>>) attributes {dimension_semantics = [#tpu.dimension_semantics<core_parallel>, #tpu.dimension_semantics<subcore_parallel>], iteration_bounds = array<i64: 2, 16>, scalar_prefetch = 0 : i64, scratch_operands = 8 : i64, tpu.core_type = #tpu.core_type<sc_vector_subcore>, window_params = [{transform_indices = #map}, {transform_indices = #map1}, {transform_indices = #map1}, {transform_indices = #map1}, {transform_indices = #map1}, {transform_indices = #map}]} {
    %mul3A = arith.constant 2 : i32
    %mul3A_0 = arith.muli %arg1, %mul3A : i32
    %add3A = arith.addi %mul3A_0, %arg0 : i32
    %mul3A_1 = arith.constant 512 : i32
    %mul3A_2 = arith.muli %add3A, %mul3A_1 : i32
    "tpu.region"() ({
      %run_scoped3A = tpu.sem_alloc : memref<!tpu.dma_semaphore, #tpu.memory_space<semaphore_mem>>
      %dma_start3A_57 = tpu.memref_slice %arg3[%mul3A_2] : memref<16384xi32, #tpu.memory_space<hbm>> -> memref<512xi32, #tpu.memory_space<hbm>>
      %dma_start3A_58 = tpu.memref_slice %arg3[%mul3A_2] : memref<16384xi32, #tpu.memory_space<hbm>> -> memref<512xi32, #tpu.memory_space<hbm>>
      tpu.enqueue_dma source(%dma_start3A_58 : memref<512xi32, #tpu.memory_space<hbm>>) target(%arg8 : memref<512xi32, #tpu.memory_space<vmem>>) target_semaphore(%run_scoped3A : memref<!tpu.dma_semaphore, #tpu.memory_space<semaphore_mem>>)
      %dma_wait3A_59 = tpu.memref_slice %arg3[%mul3A_2] : memref<16384xi32, #tpu.memory_space<hbm>> -> memref<512xi32, #tpu.memory_space<hbm>>
      %dma_wait3A_60 = tpu.memref_slice %arg3[%mul3A_2] : memref<16384xi32, #tpu.memory_space<hbm>> -> memref<512xi32, #tpu.memory_space<hbm>>
      tpu.wait_dma2 semaphore(%run_scoped3A : memref<!tpu.dma_semaphore, #tpu.memory_space<semaphore_mem>>) src(%dma_wait3A_60 : memref<512xi32, #tpu.memory_space<hbm>>) dst(%arg8 : memref<512xi32, #tpu.memory_space<vmem>>)
      tpu.yield
    }) : () -> ()
    %dma_start3A = arith.constant 0 : i32
    %dma_start3A_3 = arith.constant 0 : i32
    %dma_start3A_4 = tpu.memref_slice %arg2[%dma_start3A, %dma_start3A_3] : memref<1024x64xf32, #tpu.memory_space<hbm>> -> memref<1024x64xf32, #tpu.memory_space<hbm>>
    tpu.enqueue_indirect_dma source(%dma_start3A_4 : memref<1024x64xf32, #tpu.memory_space<hbm>>) target(%arg10 : memref<512x64xf32, #tpu.memory_space<vmem>>) offsets(%arg8 : memref<512xi32, #tpu.memory_space<vmem>>) semaphore(%arg12 : memref<!tpu.dma_semaphore, #tpu.memory_space<semaphore_mem>>)
    "tpu.region"() ({
      %run_scoped3A = tpu.sem_alloc : memref<!tpu.dma_semaphore, #tpu.memory_space<semaphore_mem>>
      %dma_start3A_57 = tpu.memref_slice %arg4[%mul3A_2] : memref<16384xi32, #tpu.memory_space<hbm>> -> memref<512xi32, #tpu.memory_space<hbm>>
      %dma_start3A_58 = tpu.memref_slice %arg4[%mul3A_2] : memref<16384xi32, #tpu.memory_space<hbm>> -> memref<512xi32, #tpu.memory_space<hbm>>
      tpu.enqueue_dma source(%dma_start3A_58 : memref<512xi32, #tpu.memory_space<hbm>>) target(%arg9 : memref<512xi32, #tpu.memory_space<vmem>>) target_semaphore(%run_scoped3A : memref<!tpu.dma_semaphore, #tpu.memory_space<semaphore_mem>>)
      %dma_wait3A_59 = tpu.memref_slice %arg4[%mul3A_2] : memref<16384xi32, #tpu.memory_space<hbm>> -> memref<512xi32, #tpu.memory_space<hbm>>
      %dma_wait3A_60 = tpu.memref_slice %arg4[%mul3A_2] : memref<16384xi32, #tpu.memory_space<hbm>> -> memref<512xi32, #tpu.memory_space<hbm>>
      tpu.wait_dma2 semaphore(%run_scoped3A : memref<!tpu.dma_semaphore, #tpu.memory_space<semaphore_mem>>) src(%dma_wait3A_60 : memref<512xi32, #tpu.memory_space<hbm>>) dst(%arg9 : memref<512xi32, #tpu.memory_space<vmem>>)
      tpu.yield
    }) : () -> ()
    %dma_start3A_5 = arith.constant 0 : i32
    %dma_start3A_6 = arith.constant 0 : i32
    %dma_start3A_7 = tpu.memref_slice %arg2[%dma_start3A_5, %dma_start3A_6] : memref<1024x64xf32, #tpu.memory_space<hbm>> -> memref<1024x64xf32, #tpu.memory_space<hbm>>
    tpu.enqueue_indirect_dma source(%dma_start3A_7 : memref<1024x64xf32, #tpu.memory_space<hbm>>) target(%arg11 : memref<512x64xf32, #tpu.memory_space<vmem>>) offsets(%arg9 : memref<512xi32, #tpu.memory_space<vmem>>) semaphore(%arg13 : memref<!tpu.dma_semaphore, #tpu.memory_space<semaphore_mem>>)
    %dma_wait3A = arith.constant 0 : i32
    %dma_wait3A_8 = arith.constant 0 : i32
    %dma_wait3A_9 = tpu.memref_slice %arg2[%dma_wait3A, %dma_wait3A_8] : memref<1024x64xf32, #tpu.memory_space<hbm>> -> memref<1024x64xf32, #tpu.memory_space<hbm>>
    tpu.wait_indirect_dma semaphore(%arg12 : memref<!tpu.dma_semaphore, #tpu.memory_space<semaphore_mem>>) src(%dma_wait3A_9 : memref<1024x64xf32, #tpu.memory_space<hbm>>) dst(%arg10 : memref<512x64xf32, #tpu.memory_space<vmem>>)
    %dma_start3A_10 = arith.constant 0 : i32
    %dma_start3A_11 = tpu.memref_slice %arg7[%mul3A_2, %dma_start3A_10] : memref<16384x256xf32, #tpu.memory_space<hbm>> -> memref<512x64xf32, #tpu.memory_space<hbm>>
    %dma_start3A_12 = arith.constant 0 : i32
    %dma_start3A_13 = tpu.memref_slice %arg7[%mul3A_2, %dma_start3A_12] : memref<16384x256xf32, #tpu.memory_space<hbm>> -> memref<512x64xf32, #tpu.memory_space<hbm>>
    tpu.enqueue_dma source(%arg10 : memref<512x64xf32, #tpu.memory_space<vmem>>) target(%dma_start3A_13 : memref<512x64xf32, #tpu.memory_space<hbm>>) target_semaphore(%arg14 : memref<!tpu.dma_semaphore, #tpu.memory_space<semaphore_mem>>)
    %dma_wait3A_14 = arith.constant 0 : i32
    %dma_wait3A_15 = tpu.memref_slice %arg7[%mul3A_2, %dma_wait3A_14] : memref<16384x256xf32, #tpu.memory_space<hbm>> -> memref<512x64xf32, #tpu.memory_space<hbm>>
    %dma_wait3A_16 = arith.constant 0 : i32
    %dma_wait3A_17 = tpu.memref_slice %arg7[%mul3A_2, %dma_wait3A_16] : memref<16384x256xf32, #tpu.memory_space<hbm>> -> memref<512x64xf32, #tpu.memory_space<hbm>>
    tpu.wait_dma2 semaphore(%arg14 : memref<!tpu.dma_semaphore, #tpu.memory_space<semaphore_mem>>) src(%arg10 : memref<512x64xf32, #tpu.memory_space<vmem>>) dst(%dma_wait3A_17 : memref<512x64xf32, #tpu.memory_space<hbm>>)
    "tpu.region"() ({
      %run_scoped3A = tpu.sem_alloc : memref<!tpu.dma_semaphore, #tpu.memory_space<semaphore_mem>>
      %dma_start3A_57 = tpu.memref_slice %arg5[%mul3A_2] : memref<16384xi32, #tpu.memory_space<hbm>> -> memref<512xi32, #tpu.memory_space<hbm>>
      %dma_start3A_58 = tpu.memref_slice %arg5[%mul3A_2] : memref<16384xi32, #tpu.memory_space<hbm>> -> memref<512xi32, #tpu.memory_space<hbm>>
      tpu.enqueue_dma source(%dma_start3A_58 : memref<512xi32, #tpu.memory_space<hbm>>) target(%arg8 : memref<512xi32, #tpu.memory_space<vmem>>) target_semaphore(%run_scoped3A : memref<!tpu.dma_semaphore, #tpu.memory_space<semaphore_mem>>)
      %dma_wait3A_59 = tpu.memref_slice %arg5[%mul3A_2] : memref<16384xi32, #tpu.memory_space<hbm>> -> memref<512xi32, #tpu.memory_space<hbm>>
      %dma_wait3A_60 = tpu.memref_slice %arg5[%mul3A_2] : memref<16384xi32, #tpu.memory_space<hbm>> -> memref<512xi32, #tpu.memory_space<hbm>>
      tpu.wait_dma2 semaphore(%run_scoped3A : memref<!tpu.dma_semaphore, #tpu.memory_space<semaphore_mem>>) src(%dma_wait3A_60 : memref<512xi32, #tpu.memory_space<hbm>>) dst(%arg8 : memref<512xi32, #tpu.memory_space<vmem>>)
      tpu.yield
    }) : () -> ()
    %dma_start3A_18 = arith.constant 0 : i32
    %dma_start3A_19 = arith.constant 0 : i32
    %dma_start3A_20 = tpu.memref_slice %arg2[%dma_start3A_18, %dma_start3A_19] : memref<1024x64xf32, #tpu.memory_space<hbm>> -> memref<1024x64xf32, #tpu.memory_space<hbm>>
    tpu.enqueue_indirect_dma source(%dma_start3A_20 : memref<1024x64xf32, #tpu.memory_space<hbm>>) target(%arg10 : memref<512x64xf32, #tpu.memory_space<vmem>>) offsets(%arg8 : memref<512xi32, #tpu.memory_space<vmem>>) semaphore(%arg12 : memref<!tpu.dma_semaphore, #tpu.memory_space<semaphore_mem>>)
    %dma_wait3A_21 = arith.constant 0 : i32
    %dma_wait3A_22 = arith.constant 0 : i32
    %dma_wait3A_23 = tpu.memref_slice %arg2[%dma_wait3A_21, %dma_wait3A_22] : memref<1024x64xf32, #tpu.memory_space<hbm>> -> memref<1024x64xf32, #tpu.memory_space<hbm>>
    tpu.wait_indirect_dma semaphore(%arg13 : memref<!tpu.dma_semaphore, #tpu.memory_space<semaphore_mem>>) src(%dma_wait3A_23 : memref<1024x64xf32, #tpu.memory_space<hbm>>) dst(%arg11 : memref<512x64xf32, #tpu.memory_space<vmem>>)
    %dma_start3A_24 = arith.constant 64 : i32
    %dma_start3A_25 = tpu.memref_slice %arg7[%mul3A_2, %dma_start3A_24] : memref<16384x256xf32, #tpu.memory_space<hbm>> -> memref<512x64xf32, #tpu.memory_space<hbm>>
    %dma_start3A_26 = arith.constant 64 : i32
    %dma_start3A_27 = tpu.memref_slice %arg7[%mul3A_2, %dma_start3A_26] : memref<16384x256xf32, #tpu.memory_space<hbm>> -> memref<512x64xf32, #tpu.memory_space<hbm>>
    tpu.enqueue_dma source(%arg11 : memref<512x64xf32, #tpu.memory_space<vmem>>) target(%dma_start3A_27 : memref<512x64xf32, #tpu.memory_space<hbm>>) target_semaphore(%arg15 : memref<!tpu.dma_semaphore, #tpu.memory_space<semaphore_mem>>)
    %dma_wait3A_28 = arith.constant 64 : i32
    %dma_wait3A_29 = tpu.memref_slice %arg7[%mul3A_2, %dma_wait3A_28] : memref<16384x256xf32, #tpu.memory_space<hbm>> -> memref<512x64xf32, #tpu.memory_space<hbm>>
    %dma_wait3A_30 = arith.constant 64 : i32
    %dma_wait3A_31 = tpu.memref_slice %arg7[%mul3A_2, %dma_wait3A_30] : memref<16384x256xf32, #tpu.memory_space<hbm>> -> memref<512x64xf32, #tpu.memory_space<hbm>>
    tpu.wait_dma2 semaphore(%arg15 : memref<!tpu.dma_semaphore, #tpu.memory_space<semaphore_mem>>) src(%arg11 : memref<512x64xf32, #tpu.memory_space<vmem>>) dst(%dma_wait3A_31 : memref<512x64xf32, #tpu.memory_space<hbm>>)
    "tpu.region"() ({
      %run_scoped3A = tpu.sem_alloc : memref<!tpu.dma_semaphore, #tpu.memory_space<semaphore_mem>>
      %dma_start3A_57 = tpu.memref_slice %arg6[%mul3A_2] : memref<16384xi32, #tpu.memory_space<hbm>> -> memref<512xi32, #tpu.memory_space<hbm>>
      %dma_start3A_58 = tpu.memref_slice %arg6[%mul3A_2] : memref<16384xi32, #tpu.memory_space<hbm>> -> memref<512xi32, #tpu.memory_space<hbm>>
      tpu.enqueue_dma source(%dma_start3A_58 : memref<512xi32, #tpu.memory_space<hbm>>) target(%arg9 : memref<512xi32, #tpu.memory_space<vmem>>) target_semaphore(%run_scoped3A : memref<!tpu.dma_semaphore, #tpu.memory_space<semaphore_mem>>)
      %dma_wait3A_59 = tpu.memref_slice %arg6[%mul3A_2] : memref<16384xi32, #tpu.memory_space<hbm>> -> memref<512xi32, #tpu.memory_space<hbm>>
      %dma_wait3A_60 = tpu.memref_slice %arg6[%mul3A_2] : memref<16384xi32, #tpu.memory_space<hbm>> -> memref<512xi32, #tpu.memory_space<hbm>>
      tpu.wait_dma2 semaphore(%run_scoped3A : memref<!tpu.dma_semaphore, #tpu.memory_space<semaphore_mem>>) src(%dma_wait3A_60 : memref<512xi32, #tpu.memory_space<hbm>>) dst(%arg9 : memref<512xi32, #tpu.memory_space<vmem>>)
      tpu.yield
    }) : () -> ()
    %dma_start3A_32 = arith.constant 0 : i32
    %dma_start3A_33 = arith.constant 0 : i32
    %dma_start3A_34 = tpu.memref_slice %arg2[%dma_start3A_32, %dma_start3A_33] : memref<1024x64xf32, #tpu.memory_space<hbm>> -> memref<1024x64xf32, #tpu.memory_space<hbm>>
    tpu.enqueue_indirect_dma source(%dma_start3A_34 : memref<1024x64xf32, #tpu.memory_space<hbm>>) target(%arg11 : memref<512x64xf32, #tpu.memory_space<vmem>>) offsets(%arg9 : memref<512xi32, #tpu.memory_space<vmem>>) semaphore(%arg13 : memref<!tpu.dma_semaphore, #tpu.memory_space<semaphore_mem>>)
    %dma_wait3A_35 = arith.constant 0 : i32
    %dma_wait3A_36 = arith.constant 0 : i32
    %dma_wait3A_37 = tpu.memref_slice %arg2[%dma_wait3A_35, %dma_wait3A_36] : memref<1024x64xf32, #tpu.memory_space<hbm>> -> memref<1024x64xf32, #tpu.memory_space<hbm>>
    tpu.wait_indirect_dma semaphore(%arg12 : memref<!tpu.dma_semaphore, #tpu.memory_space<semaphore_mem>>) src(%dma_wait3A_37 : memref<1024x64xf32, #tpu.memory_space<hbm>>) dst(%arg10 : memref<512x64xf32, #tpu.memory_space<vmem>>)
    %dma_start3A_38 = arith.constant 128 : i32
    %dma_start3A_39 = tpu.memref_slice %arg7[%mul3A_2, %dma_start3A_38] : memref<16384x256xf32, #tpu.memory_space<hbm>> -> memref<512x64xf32, #tpu.memory_space<hbm>>
    %dma_start3A_40 = arith.constant 128 : i32
    %dma_start3A_41 = tpu.memref_slice %arg7[%mul3A_2, %dma_start3A_40] : memref<16384x256xf32, #tpu.memory_space<hbm>> -> memref<512x64xf32, #tpu.memory_space<hbm>>
    tpu.enqueue_dma source(%arg10 : memref<512x64xf32, #tpu.memory_space<vmem>>) target(%dma_start3A_41 : memref<512x64xf32, #tpu.memory_space<hbm>>) target_semaphore(%arg14 : memref<!tpu.dma_semaphore, #tpu.memory_space<semaphore_mem>>)
    %dma_wait3A_42 = arith.constant 0 : i32
    %dma_wait3A_43 = arith.constant 0 : i32
    %dma_wait3A_44 = tpu.memref_slice %arg2[%dma_wait3A_42, %dma_wait3A_43] : memref<1024x64xf32, #tpu.memory_space<hbm>> -> memref<1024x64xf32, #tpu.memory_space<hbm>>
    tpu.wait_indirect_dma semaphore(%arg13 : memref<!tpu.dma_semaphore, #tpu.memory_space<semaphore_mem>>) src(%dma_wait3A_44 : memref<1024x64xf32, #tpu.memory_space<hbm>>) dst(%arg11 : memref<512x64xf32, #tpu.memory_space<vmem>>)
    %dma_start3A_45 = arith.constant 192 : i32
    %dma_start3A_46 = tpu.memref_slice %arg7[%mul3A_2, %dma_start3A_45] : memref<16384x256xf32, #tpu.memory_space<hbm>> -> memref<512x64xf32, #tpu.memory_space<hbm>>
    %dma_start3A_47 = arith.constant 192 : i32
    %dma_start3A_48 = tpu.memref_slice %arg7[%mul3A_2, %dma_start3A_47] : memref<16384x256xf32, #tpu.memory_space<hbm>> -> memref<512x64xf32, #tpu.memory_space<hbm>>
    tpu.enqueue_dma source(%arg11 : memref<512x64xf32, #tpu.memory_space<vmem>>) target(%dma_start3A_48 : memref<512x64xf32, #tpu.memory_space<hbm>>) target_semaphore(%arg15 : memref<!tpu.dma_semaphore, #tpu.memory_space<semaphore_mem>>)
    %dma_wait3A_49 = arith.constant 128 : i32
    %dma_wait3A_50 = tpu.memref_slice %arg7[%mul3A_2, %dma_wait3A_49] : memref<16384x256xf32, #tpu.memory_space<hbm>> -> memref<512x64xf32, #tpu.memory_space<hbm>>
    %dma_wait3A_51 = arith.constant 128 : i32
    %dma_wait3A_52 = tpu.memref_slice %arg7[%mul3A_2, %dma_wait3A_51] : memref<16384x256xf32, #tpu.memory_space<hbm>> -> memref<512x64xf32, #tpu.memory_space<hbm>>
    tpu.wait_dma2 semaphore(%arg14 : memref<!tpu.dma_semaphore, #tpu.memory_space<semaphore_mem>>) src(%arg10 : memref<512x64xf32, #tpu.memory_space<vmem>>) dst(%dma_wait3A_52 : memref<512x64xf32, #tpu.memory_space<hbm>>)
    %dma_wait3A_53 = arith.constant 192 : i32
    %dma_wait3A_54 = tpu.memref_slice %arg7[%mul3A_2, %dma_wait3A_53] : memref<16384x256xf32, #tpu.memory_space<hbm>> -> memref<512x64xf32, #tpu.memory_space<hbm>>
    %dma_wait3A_55 = arith.constant 192 : i32
    %dma_wait3A_56 = tpu.memref_slice %arg7[%mul3A_2, %dma_wait3A_55] : memref<16384x256xf32, #tpu.memory_space<hbm>> -> memref<512x64xf32, #tpu.memory_space<hbm>>
    tpu.wait_dma2 semaphore(%arg15 : memref<!tpu.dma_semaphore, #tpu.memory_space<semaphore_mem>>) src(%arg11 : memref<512x64xf32, #tpu.memory_space<vmem>>) dst(%dma_wait3A_56 : memref<512x64xf32, #tpu.memory_space<hbm>>)
    return
  }
}

module attributes {stable_mosaic.version = 14 : i64} {
  func.func @_vq_dist_body(%arg0: i32, %arg1: memref<2048x256xf32, #tpu.memory_space<vmem>>, %arg2: memref<1024x64xf32, #tpu.memory_space<vmem>>, %arg3: memref<2048xi32, #tpu.memory_space<vmem>>, %arg4: memref<2048xi32, #tpu.memory_space<vmem>>, %arg5: memref<2048xi32, #tpu.memory_space<vmem>>, %arg6: memref<2048xi32, #tpu.memory_space<vmem>>, %arg7: memref<1x1xf32, #tpu.memory_space<vmem>>) attributes {dimension_semantics = [#tpu.dimension_semantics<arbitrary>], iteration_bounds = array<i64: 8>, scalar_prefetch = 0 : i64, scratch_operands = 0 : i64, tpu.core_type = #tpu.core_type<tc>, window_params = [{transform_indices = @transform_0, window_bounds = array<i64: 2048, 256>}, {pipeline_mode = #tpu.pipeline_mode<synchronous>, transform_indices = @transform_1, window_bounds = array<i64: 1024, 64>}, {transform_indices = @transform_2, window_bounds = array<i64: 2048>}, {transform_indices = @transform_3, window_bounds = array<i64: 2048>}, {transform_indices = @transform_4, window_bounds = array<i64: 2048>}, {transform_indices = @transform_5, window_bounds = array<i64: 2048>}, {pipeline_mode = #tpu.pipeline_mode<synchronous>, transform_indices = @transform_6, window_bounds = array<i64: 1, 1>}]} {
    %get3A = arith.constant 0 : index
    %get3A_0 = arith.constant 0 : index
    %get3A_1 = vector.load %arg1[%get3A, %get3A_0] : memref<2048x256xf32, #tpu.memory_space<vmem>>, vector<2048x256xf32>
    %get3A_2 = arith.constant 0 : index
    %get3A_3 = arith.constant 0 : index
    %get3A_4 = vector.load %arg2[%get3A_2, %get3A_3] : memref<1024x64xf32, #tpu.memory_space<vmem>>, vector<1024x64xf32>
    %mul3A = arith.mulf %get3A_4, %get3A_4 : vector<1024x64xf32>
    %reduce_sum3A = arith.constant dense<0.000000e+00> : vector<1024xf32>
    %reduce_sum3A_5 = vector.multi_reduction <add>, %mul3A, %reduce_sum3A [1] : vector<1024x64xf32> to vector<1024xf32>
    %add3A = arith.addf %get3A_4, %get3A_4 : vector<1024x64xf32>
    %broadcast_in_dim3A = arith.constant 0.000000e+00 : f32
    %broadcast_in_dim3A_6 = vector.broadcast %broadcast_in_dim3A : f32 to vector<1x1xf32>
    %iota3A = tpu.iota {dimensions = array<i32: 1>} : vector<2048x1024xi32>
    %slice3A = vector.extract_strided_slice %get3A_1 {offsets = [0, 0], sizes = [2048, 64], strides = [1, 1]} : vector<2048x256xf32> to vector<2048x64xf32>
    %dot_general3A = arith.constant dense<0.000000e+00> : vector<2048x1024xf32>
    %dot_general3A_7 = tpu.matmul %slice3A, %add3A, %dot_general3A {dimension_numbers = #tpu.dot_dimension_numbers<[1], [1], [0], [0], [0, 0, 1, 0], [], []>, transpose_lhs_hint = false} : vector<2048x64xf32>, vector<1024x64xf32>, vector<2048x1024xf32> -> vector<2048x1024xf32>
    %mul3A_8 = arith.mulf %slice3A, %slice3A : vector<2048x64xf32>
    %reduce_sum3A_9 = arith.constant dense<0.000000e+00> : vector<2048xf32>
    %reduce_sum3A_10 = vector.multi_reduction <add>, %mul3A_8, %reduce_sum3A_9 [1] : vector<2048x64xf32> to vector<2048xf32>
    %broadcast_in_dim3A_11 = vector.shape_cast %reduce_sum3A_10 : vector<2048xf32> to vector<2048x1xf32>
    %sub3A = vector.broadcast %broadcast_in_dim3A_11 : vector<2048x1xf32> to vector<2048x1024xf32>
    %sub3A_12 = arith.subf %sub3A, %dot_general3A_7 : vector<2048x1024xf32>
    %broadcast_in_dim3A_13 = vector.shape_cast %reduce_sum3A_5 : vector<1024xf32> to vector<1x1024xf32>
    %add3A_14 = vector.broadcast %broadcast_in_dim3A_13 : vector<1x1024xf32> to vector<2048x1024xf32>
    %add3A_15 = arith.addf %sub3A_12, %add3A_14 : vector<2048x1024xf32>
    %reduce_min3A = arith.constant dense<0x7F800000> : vector<2048xf32>
    %reduce_min3A_16 = vector.multi_reduction <minimumf>, %add3A_15, %reduce_min3A [1] : vector<2048x1024xf32> to vector<2048xf32>
    %broadcast_in_dim3A_17 = vector.shape_cast %reduce_min3A_16 : vector<2048xf32> to vector<2048x1xf32>
    %eq3A = vector.broadcast %broadcast_in_dim3A_17 : vector<2048x1xf32> to vector<2048x1024xf32>
    %eq3A_18 = arith.cmpf oeq, %add3A_15, %eq3A : vector<2048x1024xf32>
    %jit3A = arith.constant 1024 : i32
    %broadcast_in_dim3A_19 = vector.broadcast %jit3A : i32 to vector<2048x1024xi32>
    %select_n3A = arith.select %eq3A_18, %iota3A, %broadcast_in_dim3A_19 : vector<2048x1024xi1>, vector<2048x1024xi32>
    %reduce_min3A_20 = arith.constant dense<2147483647> : vector<2048xi32>
    %reduce_min3A_21 = vector.multi_reduction <minsi>, %select_n3A, %reduce_min3A_20 [1] : vector<2048x1024xi32> to vector<2048xi32>
    %swap3A = arith.constant 0 : index
    %swap3A_22 = vector.load %arg3[%swap3A] : memref<2048xi32, #tpu.memory_space<vmem>>, vector<2048xi32>
    tpu.vector_store %arg3[%swap3A], %reduce_min3A_21 {strides = array<i32>} : memref<2048xi32, #tpu.memory_space<vmem>>, vector<2048xi32>,
    %reduce_sum3A_23 = vector.shape_cast %reduce_min3A_16 : vector<2048xf32> to vector<1x2048xf32>
    %reduce_sum3A_24 = arith.constant dense<0.000000e+00> : vector<1xf32>
    %reduce_sum3A_25 = vector.multi_reduction <add>, %reduce_sum3A_23, %reduce_sum3A_24 [1] : vector<1x2048xf32> to vector<1xf32>
    %reduce_sum3A_26 = vector.shape_cast %reduce_sum3A_25 : vector<1xf32> to vector<1x1xf32>
    %reduce_sum3A_27 = vector.extract %reduce_sum3A_26[0, 0] : f32 from vector<1x1xf32>
    %reshape3A = vector.broadcast %reduce_sum3A_27 : f32 to vector<1x1xf32>
    %add3A_28 = arith.addf %broadcast_in_dim3A_6, %reshape3A : vector<1x1xf32>
    %slice3A_29 = vector.extract_strided_slice %get3A_1 {offsets = [0, 64], sizes = [2048, 64], strides = [1, 1]} : vector<2048x256xf32> to vector<2048x64xf32>
    %dot_general3A_30 = arith.constant dense<0.000000e+00> : vector<2048x1024xf32>
    %dot_general3A_31 = tpu.matmul %slice3A_29, %add3A, %dot_general3A_30 {dimension_numbers = #tpu.dot_dimension_numbers<[1], [1], [0], [0], [0, 0, 1, 0], [], []>, transpose_lhs_hint = false} : vector<2048x64xf32>, vector<1024x64xf32>, vector<2048x1024xf32> -> vector<2048x1024xf32>
    %mul3A_32 = arith.mulf %slice3A_29, %slice3A_29 : vector<2048x64xf32>
    %reduce_sum3A_33 = arith.constant dense<0.000000e+00> : vector<2048xf32>
    %reduce_sum3A_34 = vector.multi_reduction <add>, %mul3A_32, %reduce_sum3A_33 [1] : vector<2048x64xf32> to vector<2048xf32>
    %broadcast_in_dim3A_35 = vector.shape_cast %reduce_sum3A_34 : vector<2048xf32> to vector<2048x1xf32>
    %sub3A_36 = vector.broadcast %broadcast_in_dim3A_35 : vector<2048x1xf32> to vector<2048x1024xf32>
    %sub3A_37 = arith.subf %sub3A_36, %dot_general3A_31 : vector<2048x1024xf32>
    %broadcast_in_dim3A_38 = vector.shape_cast %reduce_sum3A_5 : vector<1024xf32> to vector<1x1024xf32>
    %add3A_39 = vector.broadcast %broadcast_in_dim3A_38 : vector<1x1024xf32> to vector<2048x1024xf32>
    %add3A_40 = arith.addf %sub3A_37, %add3A_39 : vector<2048x1024xf32>
    %reduce_min3A_41 = arith.constant dense<0x7F800000> : vector<2048xf32>
    %reduce_min3A_42 = vector.multi_reduction <minimumf>, %add3A_40, %reduce_min3A_41 [1] : vector<2048x1024xf32> to vector<2048xf32>
    %broadcast_in_dim3A_43 = vector.shape_cast %reduce_min3A_42 : vector<2048xf32> to vector<2048x1xf32>
    %eq3A_44 = vector.broadcast %broadcast_in_dim3A_43 : vector<2048x1xf32> to vector<2048x1024xf32>
    %eq3A_45 = arith.cmpf oeq, %add3A_40, %eq3A_44 : vector<2048x1024xf32>
    %jit3A_46 = arith.constant 1024 : i32
    %broadcast_in_dim3A_47 = vector.broadcast %jit3A_46 : i32 to vector<2048x1024xi32>
    %select_n3A_48 = arith.select %eq3A_45, %iota3A, %broadcast_in_dim3A_47 : vector<2048x1024xi1>, vector<2048x1024xi32>
    %reduce_min3A_49 = arith.constant dense<2147483647> : vector<2048xi32>
    %reduce_min3A_50 = vector.multi_reduction <minsi>, %select_n3A_48, %reduce_min3A_49 [1] : vector<2048x1024xi32> to vector<2048xi32>
    %swap3A_51 = arith.constant 0 : index
    %swap3A_52 = vector.load %arg4[%swap3A_51] : memref<2048xi32, #tpu.memory_space<vmem>>, vector<2048xi32>
    tpu.vector_store %arg4[%swap3A_51], %reduce_min3A_50 {strides = array<i32>} : memref<2048xi32, #tpu.memory_space<vmem>>, vector<2048xi32>,
    %reduce_sum3A_53 = vector.shape_cast %reduce_min3A_42 : vector<2048xf32> to vector<1x2048xf32>
    %reduce_sum3A_54 = arith.constant dense<0.000000e+00> : vector<1xf32>
    %reduce_sum3A_55 = vector.multi_reduction <add>, %reduce_sum3A_53, %reduce_sum3A_54 [1] : vector<1x2048xf32> to vector<1xf32>
    %reduce_sum3A_56 = vector.shape_cast %reduce_sum3A_55 : vector<1xf32> to vector<1x1xf32>
    %reduce_sum3A_57 = vector.extract %reduce_sum3A_56[0, 0] : f32 from vector<1x1xf32>
    %reshape3A_58 = vector.broadcast %reduce_sum3A_57 : f32 to vector<1x1xf32>
    %add3A_59 = arith.addf %add3A_28, %reshape3A_58 : vector<1x1xf32>
    %slice3A_60 = vector.extract_strided_slice %get3A_1 {offsets = [0, 128], sizes = [2048, 64], strides = [1, 1]} : vector<2048x256xf32> to vector<2048x64xf32>
    %dot_general3A_61 = arith.constant dense<0.000000e+00> : vector<2048x1024xf32>
    %dot_general3A_62 = tpu.matmul %slice3A_60, %add3A, %dot_general3A_61 {dimension_numbers = #tpu.dot_dimension_numbers<[1], [1], [0], [0], [0, 0, 1, 0], [], []>, transpose_lhs_hint = false} : vector<2048x64xf32>, vector<1024x64xf32>, vector<2048x1024xf32> -> vector<2048x1024xf32>
    %mul3A_63 = arith.mulf %slice3A_60, %slice3A_60 : vector<2048x64xf32>
    %reduce_sum3A_64 = arith.constant dense<0.000000e+00> : vector<2048xf32>
    %reduce_sum3A_65 = vector.multi_reduction <add>, %mul3A_63, %reduce_sum3A_64 [1] : vector<2048x64xf32> to vector<2048xf32>
    %broadcast_in_dim3A_66 = vector.shape_cast %reduce_sum3A_65 : vector<2048xf32> to vector<2048x1xf32>
    %sub3A_67 = vector.broadcast %broadcast_in_dim3A_66 : vector<2048x1xf32> to vector<2048x1024xf32>
    %sub3A_68 = arith.subf %sub3A_67, %dot_general3A_62 : vector<2048x1024xf32>
    %broadcast_in_dim3A_69 = vector.shape_cast %reduce_sum3A_5 : vector<1024xf32> to vector<1x1024xf32>
    %add3A_70 = vector.broadcast %broadcast_in_dim3A_69 : vector<1x1024xf32> to vector<2048x1024xf32>
    %add3A_71 = arith.addf %sub3A_68, %add3A_70 : vector<2048x1024xf32>
    %reduce_min3A_72 = arith.constant dense<0x7F800000> : vector<2048xf32>
    %reduce_min3A_73 = vector.multi_reduction <minimumf>, %add3A_71, %reduce_min3A_72 [1] : vector<2048x1024xf32> to vector<2048xf32>
    %broadcast_in_dim3A_74 = vector.shape_cast %reduce_min3A_73 : vector<2048xf32> to vector<2048x1xf32>
    %eq3A_75 = vector.broadcast %broadcast_in_dim3A_74 : vector<2048x1xf32> to vector<2048x1024xf32>
    %eq3A_76 = arith.cmpf oeq, %add3A_71, %eq3A_75 : vector<2048x1024xf32>
    %jit3A_77 = arith.constant 1024 : i32
    %broadcast_in_dim3A_78 = vector.broadcast %jit3A_77 : i32 to vector<2048x1024xi32>
    %select_n3A_79 = arith.select %eq3A_76, %iota3A, %broadcast_in_dim3A_78 : vector<2048x1024xi1>, vector<2048x1024xi32>
    %reduce_min3A_80 = arith.constant dense<2147483647> : vector<2048xi32>
    %reduce_min3A_81 = vector.multi_reduction <minsi>, %select_n3A_79, %reduce_min3A_80 [1] : vector<2048x1024xi32> to vector<2048xi32>
    %swap3A_82 = arith.constant 0 : index
    %swap3A_83 = vector.load %arg5[%swap3A_82] : memref<2048xi32, #tpu.memory_space<vmem>>, vector<2048xi32>
    tpu.vector_store %arg5[%swap3A_82], %reduce_min3A_81 {strides = array<i32>} : memref<2048xi32, #tpu.memory_space<vmem>>, vector<2048xi32>,
    %reduce_sum3A_84 = vector.shape_cast %reduce_min3A_73 : vector<2048xf32> to vector<1x2048xf32>
    %reduce_sum3A_85 = arith.constant dense<0.000000e+00> : vector<1xf32>
    %reduce_sum3A_86 = vector.multi_reduction <add>, %reduce_sum3A_84, %reduce_sum3A_85 [1] : vector<1x2048xf32> to vector<1xf32>
    %reduce_sum3A_87 = vector.shape_cast %reduce_sum3A_86 : vector<1xf32> to vector<1x1xf32>
    %reduce_sum3A_88 = vector.extract %reduce_sum3A_87[0, 0] : f32 from vector<1x1xf32>
    %reshape3A_89 = vector.broadcast %reduce_sum3A_88 : f32 to vector<1x1xf32>
    %add3A_90 = arith.addf %add3A_59, %reshape3A_89 : vector<1x1xf32>
    %slice3A_91 = vector.extract_strided_slice %get3A_1 {offsets = [0, 192], sizes = [2048, 64], strides = [1, 1]} : vector<2048x256xf32> to vector<2048x64xf32>
    %dot_general3A_92 = arith.constant dense<0.000000e+00> : vector<2048x1024xf32>
    %dot_general3A_93 = tpu.matmul %slice3A_91, %add3A, %dot_general3A_92 {dimension_numbers = #tpu.dot_dimension_numbers<[1], [1], [0], [0], [0, 0, 1, 0], [], []>, transpose_lhs_hint = false} : vector<2048x64xf32>, vector<1024x64xf32>, vector<2048x1024xf32> -> vector<2048x1024xf32>
    %mul3A_94 = arith.mulf %slice3A_91, %slice3A_91 : vector<2048x64xf32>
    %reduce_sum3A_95 = arith.constant dense<0.000000e+00> : vector<2048xf32>
    %reduce_sum3A_96 = vector.multi_reduction <add>, %mul3A_94, %reduce_sum3A_95 [1] : vector<2048x64xf32> to vector<2048xf32>
    %broadcast_in_dim3A_97 = vector.shape_cast %reduce_sum3A_96 : vector<2048xf32> to vector<2048x1xf32>
    %sub3A_98 = vector.broadcast %broadcast_in_dim3A_97 : vector<2048x1xf32> to vector<2048x1024xf32>
    %sub3A_99 = arith.subf %sub3A_98, %dot_general3A_93 : vector<2048x1024xf32>
    %broadcast_in_dim3A_100 = vector.shape_cast %reduce_sum3A_5 : vector<1024xf32> to vector<1x1024xf32>
    %add3A_101 = vector.broadcast %broadcast_in_dim3A_100 : vector<1x1024xf32> to vector<2048x1024xf32>
    %add3A_102 = arith.addf %sub3A_99, %add3A_101 : vector<2048x1024xf32>
    %reduce_min3A_103 = arith.constant dense<0x7F800000> : vector<2048xf32>
    %reduce_min3A_104 = vector.multi_reduction <minimumf>, %add3A_102, %reduce_min3A_103 [1] : vector<2048x1024xf32> to vector<2048xf32>
    %broadcast_in_dim3A_105 = vector.shape_cast %reduce_min3A_104 : vector<2048xf32> to vector<2048x1xf32>
    %eq3A_106 = vector.broadcast %broadcast_in_dim3A_105 : vector<2048x1xf32> to vector<2048x1024xf32>
    %eq3A_107 = arith.cmpf oeq, %add3A_102, %eq3A_106 : vector<2048x1024xf32>
    %jit3A_108 = arith.constant 1024 : i32
    %broadcast_in_dim3A_109 = vector.broadcast %jit3A_108 : i32 to vector<2048x1024xi32>
    %select_n3A_110 = arith.select %eq3A_107, %iota3A, %broadcast_in_dim3A_109 : vector<2048x1024xi1>, vector<2048x1024xi32>
    %reduce_min3A_111 = arith.constant dense<2147483647> : vector<2048xi32>
    %reduce_min3A_112 = vector.multi_reduction <minsi>, %select_n3A_110, %reduce_min3A_111 [1] : vector<2048x1024xi32> to vector<2048xi32>
    %swap3A_113 = arith.constant 0 : index
    %swap3A_114 = vector.load %arg6[%swap3A_113] : memref<2048xi32, #tpu.memory_space<vmem>>, vector<2048xi32>
    tpu.vector_store %arg6[%swap3A_113], %reduce_min3A_112 {strides = array<i32>} : memref<2048xi32, #tpu.memory_space<vmem>>, vector<2048xi32>,
    %reduce_sum3A_115 = vector.shape_cast %reduce_min3A_104 : vector<2048xf32> to vector<1x2048xf32>
    %reduce_sum3A_116 = arith.constant dense<0.000000e+00> : vector<1xf32>
    %reduce_sum3A_117 = vector.multi_reduction <add>, %reduce_sum3A_115, %reduce_sum3A_116 [1] : vector<1x2048xf32> to vector<1xf32>
    %reduce_sum3A_118 = vector.shape_cast %reduce_sum3A_117 : vector<1xf32> to vector<1x1xf32>
    %reduce_sum3A_119 = vector.extract %reduce_sum3A_118[0, 0] : f32 from vector<1x1xf32>
    %reshape3A_120 = vector.broadcast %reduce_sum3A_119 : f32 to vector<1x1xf32>
    %add3A_121 = arith.addf %add3A_90, %reshape3A_120 : vector<1x1xf32>
    %eq3A_122 = arith.constant 0 : i32
    %eq3A_123 = arith.cmpi eq, %arg0, %eq3A_122 : i32
    %convert_element_type3A = arith.extui %eq3A_123 : i1 to i32
    %cond3A = arith.constant 0 : i32
    %cond3A_124 = arith.cmpi ne, %convert_element_type3A, %cond3A : i32
    scf.if %cond3A_124 {
      %swap3A_129 = arith.constant 0 : index
      %swap3A_130 = arith.constant 0 : index
      %swap3A_131 = vector.load %arg7[%swap3A_129, %swap3A_130] : memref<1x1xf32, #tpu.memory_space<vmem>>, vector<1x1xf32>
      tpu.vector_store %arg7[%swap3A_129, %swap3A_130], %add3A_121 {strides = array<i32>} : memref<1x1xf32, #tpu.memory_space<vmem>>, vector<1x1xf32>,
    } else {
    }
    %ne3A = arith.constant 0 : i32
    %ne3A_125 = arith.cmpi ne, %arg0, %ne3A : i32
    %convert_element_type3A_126 = arith.extui %ne3A_125 : i1 to i32
    %cond3A_127 = arith.constant 0 : i32
    %cond3A_128 = arith.cmpi ne, %convert_element_type3A_126, %cond3A_127 : i32
    scf.if %cond3A_128 {
      %get3A_129 = arith.constant 0 : index
      %get3A_130 = arith.constant 0 : index
      %get3A_131 = vector.load %arg7[%get3A_129, %get3A_130] : memref<1x1xf32, #tpu.memory_space<vmem>>, vector<1x1xf32>
      %add3A_132 = arith.addf %get3A_131, %add3A_121 : vector<1x1xf32>
      %swap3A_133 = arith.constant 0 : index
      %swap3A_134 = arith.constant 0 : index
      %swap3A_135 = vector.load %arg7[%swap3A_133, %swap3A_134] : memref<1x1xf32, #tpu.memory_space<vmem>>, vector<1x1xf32>
      tpu.vector_store %arg7[%swap3A_133, %swap3A_134], %add3A_132 {strides = array<i32>} : memref<1x1xf32, #tpu.memory_space<vmem>>, vector<1x1xf32>,
    } else {
    }
    return
  }
  func.func @transform_0(%arg0: i32) -> (i32, i32) {
    %c0_i32 = arith.constant 0 : i32
    %c0_i32_0 = arith.constant 0 : i32
    return %arg0, %c0_i32 : i32, i32
  }
  func.func @transform_1(%arg0: i32) -> (i32, i32) {
    %c0_i32 = arith.constant 0 : i32
    %c0_i32_0 = arith.constant 0 : i32
    %c0_i32_1 = arith.constant 0 : i32
    return %c0_i32, %c0_i32_0 : i32, i32
  }
  func.func @transform_2(%arg0: i32) -> i32 {
    %c0_i32 = arith.constant 0 : i32
    return %arg0 : i32
  }
  func.func @transform_3(%arg0: i32) -> i32 {
    %c0_i32 = arith.constant 0 : i32
    return %arg0 : i32
  }
  func.func @transform_4(%arg0: i32) -> i32 {
    %c0_i32 = arith.constant 0 : i32
    return %arg0 : i32
  }
  func.func @transform_5(%arg0: i32) -> i32 {
    %c0_i32 = arith.constant 0 : i32
    return %arg0 : i32
  }
  func.func @transform_6(%arg0: i32) -> (i32, i32) {
    %c0_i32 = arith.constant 0 : i32
    %c0_i32_0 = arith.constant 0 : i32
    %c0_i32_1 = arith.constant 0 : i32
    return %c0_i32, %c0_i32_0 : i32, i32
  }
}

</mosaic_0001>

<sc_bundles>
// kernel: kernel.4.cloned.1.call-start
scs
__scs_entry_jumppad:
0x0: {  	(pc) =	sbr.rel $0x88, $3  }
0x1: {  	(tag) =	ssettag $0x0;
	lr =	simm.s32 $0x1  }
0x2: {  	[smem:$0x3F9F] =	sst lr;
	_ =	strace $0xD0000000  }
0x3: {  	_ = 	snop  }
0x4: {  	_ = 	snop  }
0x5: {  	_ = 	snop  }
0x6: {  	_ = 	snop  }
0x7: {  	_ = 	snop  }
__scs_overlays_trampoline_lowered:
0x8: {  	[smem:$0x3FAE] =	sst s0  }
0x9: {  	[smem:$0x3FAF] =	sst s1  }
0xa: {  	[smem:$0x3FB0] =	sst s2  }
0xb: {  	[smem:$0x3FB1] =	sst s3  }
0xc: {  	[smem:$0x3FB2] =	sst s4  }
0xd: {  	[smem:$0x3FB3] =	sst s5  }
0xe: {  	[smem:$0x3FB4] =	sst s6  }
0xf: {  	[smem:$0x3FB5] =	sst s7  }
0x10: {  	[smem:$0x3FB6] =	sst s8  }
0x11: {  	[smem:$0x3FB7] =	sst s9;
	s0 =	simm.s32 @!p0 $0x0  }
0x12: {  	s1 =	sld [smem:$0x3F9D];
	s0 =	simm.s32 @p0 $0x1  }
0x13: {  	[smem:$0x3FB8] =	sst s0;
	s0 =	simm.s32 @!p1 $0x0  }
0x14: {  	s2 =	sld [smem:$0x3F9C];
	s0 =	simm.s32 @p1 $0x1  }
0x15: {  	[smem:$0x3FB9] =	sst s0;
	s0 =	simm.s32 @!p2 $0x0  }
0x16: {  	s3 =	sld [smem:$0x3FDB];
	s0 =	simm.s32 @p2 $0x1  }
0x17: {  	s4 =	simm.s32 $0x1BF5;
	[smem:$0x3FBB] =	sst s0  }
0x18: {  	s0 =	sld [smem:$0x3F9E];
	_ =	swait.ge [sflag:s4], $0x0  }
0x19: {  	s7 =	sld [smem:$0x3F9F]  }
0x1a: {  	s8 =	sadd.s32 $0xFFFFE003, lr  }
0x1b: {  	s9 =	sadd.s32 $0xFFFFFEF7, lr;
	s5 =	simm.s32 $0xFFFFFFFF;
	p2 =	slt.u32 s8, $0xFFFFF086  }
0x1c: {  	p1 =	slt.u32 s9, $0xF7A;
	s5 =	simm.s32 @!p2 $0x0  }
0x1d: {  	s5 =	simm.s32 @p1 $0x1;
	p0 =	seq.s32 s7, s2  }
0x1e: {  	s7 =	smul.u32 @!p0 $0xF7A, s2;
	p2 =	seq.s32 @!p0 s5, $0x0  }
0x1f: {  	s9 =	smul.u32 $0xF7A, s1;
	s8 =	simm.s32 @!p0 $0x1BF5;
	p2 =	por !p2, p0  }
0x20: {  	[sflag:s8] =	ssyncset.s32 @!p0 $0xFFFFF086;
	s6 =	sadd.s32 @!p0 s3, s7;
	s7 =	simm.s32 @!p0 $0x108  }
0x21: {  	s3 =	sadd.s32 s3, s9;
	s6 =	sadd.s32 @!p0 $0x88, s6;
	s7 =	simm.s32 @p2 $0x1082  }
0x22: {  	[simem:s7], [sflag:s8] =	dma.local @!p0 [hbm:s6], $0xF7A  }
0x23: {  	s9 =	sor.u32 $0xD0000000, s2;
	s6 =	simm.s32 $0x108;
	_ =	swait.ge @!p0 [sflag:s8], $0x0  }
0x24: {  	s3 =	sadd.s32 $0x88, s3;
	s6 =	simm.s32 @!p1 $0x1082;
	[sflag:s4] =	ssyncset.s32 $0xFFFFF086  }
0x25: {  	[simem:s6], [sflag:s4] =	dma.local [hbm:s3], $0xF7A  }
0x26: {  	[smem:$0x3F9F] =	sst s1;
	(tag) =	ssettag s2;
	_ =	strace s9  }
0x27: {  	s1 =	sld [smem:$0x3FAF]  }
0x28: {  	s2 =	sld [smem:$0x3FB0]  }
0x29: {  	s4 =	sld [smem:$0x3FB2]  }
0x2a: {  	p0 =	seq.s32 s5, $0x0;
	s5 =	sld [smem:$0x3FB3]  }
0x2b: {  	s6 =	sld [smem:$0x3FB4]  }
0x2c: {  	s7 =	sld [smem:$0x3FB5]  }
0x2d: {  	s3 =	simm.s32 $0x108;
	s8 =	sld [smem:$0x3FB6]  }
0x2e: {  	s3 =	simm.s32 @!p0 $0x1082;
	s9 =	sld [smem:$0x3FB7]  }
0x2f: {  	lr =	sadd.s32 s0, s3;
	s0 =	sld [smem:$0x3FAE]  }
0x30: {  	s3 =	sld [smem:$0x3FB1]  }
0x31: {  	[smem:$0x3FBA] =	sst s10  }
0x32: {  	s10 =	sld [smem:$0x3FB8];
	_ =	sdelay $0x3  }
0x33: {  	p0 =	seq.s32 s10, $0x1;
	s10 =	sld [smem:$0x3FBA];
	_ =	sdelay $0x3  }
0x34: {  	[smem:$0x3FBA] =	sst s10  }
0x35: {  	s10 =	sld [smem:$0x3FB9];
	_ =	sdelay $0x3  }
0x36: {  	p1 =	seq.s32 s10, $0x1;
	s10 =	sld [smem:$0x3FBA];
	_ =	sdelay $0x3  }
0x37: {  	[smem:$0x3FBA] =	sst s10  }
0x38: {  	s10 =	sld [smem:$0x3FBB]  }
0x39: {  	_ = 	snop;
	(pc) =	sbr.ind lr, $3  }
0x3a: {  	_ = 	snop  }
0x3b: {  	_ = 	snop  }
0x3c: {  	p2 =	seq.s32 s10, $0x1;
	s10 =	sld [smem:$0x3FBA]  }
0x3d: {  	_ =	shalt  }
0x3e: {  	_ =	shalt  }
0x3f: {  	_ =	shalt  }
0x40: {  	_ =	shalt  }
0x41: {  	_ =	shalt  }
0x42: {  	_ =	shalt  }
0x43: {  	_ =	shalt  }
0x44: {  	_ =	shalt  }
0x45: {  	_ =	shalt  }
0x46: {  	_ =	shalt  }
0x47: {  	_ =	shalt  }
0x48: {  	_ =	shalt  }
0x49: {  	_ =	shalt  }
0x4a: {  	_ =	shalt  }
0x4b: {  	_ =	shalt  }
0x4c: {  	_ =	shalt  }
0x4d: {  	_ =	shalt  }
0x4e: {  	_ =	shalt  }
0x4f: {  	_ =	shalt  }
0x50: {  	_ =	shalt  }
0x51: {  	_ =	shalt  }
0x52: {  	_ =	shalt  }
0x53: {  	_ =	shalt  }
0x54: {  	_ =	shalt  }
0x55: {  	_ =	shalt  }
0x56: {  	_ =	shalt  }
0x57: {  	_ =	shalt  }
0x58: {  	_ =	shalt  }
0x59: {  	_ =	shalt  }
0x5a: {  	_ =	shalt  }
0x5b: {  	_ =	shalt  }
0x5c: {  	_ =	shalt  }
0x5d: {  	_ =	shalt  }
0x5e: {  	_ =	shalt  }
0x5f: {  	_ =	shalt  }
0x60: {  	_ =	shalt  }
0x61: {  	_ =	shalt  }
0x62: {  	_ =	shalt  }
0x63: {  	_ =	shalt  }
0x64: {  	_ =	shalt  }
0x65: {  	_ =	shalt  }
0x66: {  	_ =	shalt  }
0x67: {  	_ =	shalt  }
0x68: {  	_ =	shalt  }
0x69: {  	_ =	shalt  }
0x6a: {  	_ =	shalt  }
0x6b: {  	_ =	shalt  }
0x6c: {  	_ =	shalt  }
0x6d: {  	_ =	shalt  }
0x6e: {  	_ =	shalt  }
0x6f: {  	_ =	shalt  }
0x70: {  	_ =	shalt  }
0x71: {  	_ =	shalt  }
0x72: {  	_ =	shalt  }
0x73: {  	_ =	shalt  }
0x74: {  	_ =	shalt  }
0x75: {  	_ =	shalt  }
0x76: {  	_ =	shalt  }
0x77: {  	_ =	shalt  }
0x78: {  	_ =	shalt  }
0x79: {  	_ =	shalt  }
0x7a: {  	_ =	shalt  }
0x7b: {  	_ =	shalt  }
0x7c: {  	_ =	shalt  }
0x7d: {  	_ =	shalt  }
0x7e: {  	_ =	shalt  }
0x7f: {  	_ =	shalt  }
0x80: {  	_ =	shalt  }
0x81: {  	_ =	shalt  }
0x82: {  	_ =	shalt  }
0x83: {  	_ =	shalt  }
0x84: {  	_ =	shalt  }
0x85: {  	_ =	shalt  }
0x86: {  	_ =	shalt  }
0x87: {  	_ =	shalt  }
.Lfunc_end0:
.L_simem_size_0:
called_computation_lowered:
.L_overlay_start_0:
0x88: {  	s2 =	sld [smem:$0x3FD9]  }
0x89: {  	s3 =	sld [smem:$0x3FFE];
	_ =	sdelay $0x1  }
0x8a: {  	s1 =	srdreg.scid  }
0x8b: {  	s0 =	sand.u32 $0x1, s1  }
0x8c: {  	s14 =	sshll.u32 s0, $0xA;
	s2 =	sadd.s32 s3, s2  }
0x8d: {  	s2 =	sadd.s32 s2, s14  }
0x8e: {  	[smem:$0x3FC6] =	sst s2  }
0x8f: {  	_ = 	snop  }
0x90: {  	s2 =	sld [smem:$0x3FD0];
	_ =	sdelay $0x2  }
0x91: {  	s15 =	simm.s32 $0xA;
	s4 =	simm.s32 $0x10  }
0x92: {  	[smem:s4], [sflag:s15] =	dma.local [hbm:s2], $0x1  }
0x93: {  	_ =	swait.eq [sflag:s15], $0x1  }
0x94: {  	[sflag:s15] =	ssyncset.done $0x0  }
0x95: {  	[sflag:s15] =	ssyncadd.s32 $0xFFFFFFFF  }
0x96: {  	s16 =	sld [smem:$0x10];
	(tm) =	ssettm $0x1  }
0x97: {  	s17 =	sld [smem:$0x3FFB];
	_ =	sdelay $0x3  }
0x98: {  	_ =	strace s17  }
0x99: {  	s3 =	sld [smem:$0x3FFC];
	_ =	sdelay $0x3  }
0x9a: {  	_ =	strace s3  }
0x9b: {  	s3 =	sld [smem:$0x3FFD];
	_ =	sdelay $0x3  }
0x9c: {  	_ =	strace s3  }
0x9d: {  	_ =	strace $0x8FFFFFFF  }
0x9e: {  	s18 =	sld [smem:$0x3FDB];
	_ =	sdelay $0x1  }
0x9f: {  	s19 =	simm.s32 $_scs_section_size  }
0xa0: {  	s5 =	simm.s32 $_size__tile_overlayer_lowered;
	s6 =	simm.s32 $_tile_overlayer_lowered  }
0xa1: {  	s22 =	simm.s32 $0x1BFF;
	s21 =	sshll.u32 s6, $0x1;
	s3 =	sadd.s32 s19, s18  }
0xa2: {  	s7 =	simm.s32 $0x0;
	s20 =	sshll.u32 s5, $0x1;
	s5 =	sadd.s32 s21, s3  }
0xa3: {  	[timem:s7], [sflag:s22] =	dma.local [hbm:s5], s20  }
0xa4: {  	_ =	swait.ge [sflag:s22], s20  }
0xa5: {  	s4 =	ssub.s32 $0x0, s20;
	[sflag:s22] =	ssyncset.done $0x0  }
0xa6: {  	[sflag:s22] =	ssyncadd.s32 s4;
	_ =	sdelay $0x1  }
0xa7: {  	s23 =	simm.s32 $0x1B8B  }
0xa8: {  	_ =	swait.ge [sflag:s23], $0x1  }
0xa9: {  	[sflag:s23] =	ssyncset.done $0x0  }
0xaa: {  	s25 =	simm.s32 $0x1B8E;
	s24 =	sld [smem:$0x3FFE];
	[sflag:s23] =	ssyncadd.s32 $0xFFFFFFFF  }
0xab: {  	s26 =	simm.s32 $execute0_lowered;
	[smem:$0x3FD2] =	sst s25  }
0xac: {  	s5 =	sshll.u32 s26, $0x1;
	_ =	strace $0x80000046;
	[dreg:$0x1] =	wrdreg $0xFFFFFFFF  }
0xad: {  	s28 =	simm.s32 $_size_execute0_lowered;
	s3 =	sadd.s32 s3, s5;
	[dreg:$0x0] =	wrdreg $0x0  }
0xae: {  	s5 =	sshll.u32 s28, $0x1;
	[dreg:$0x2] =	wrdreg s3  }
0xaf: {  	[dreg:$0x3] =	wrdreg s5  }
0xb0: {  	[dreg:$0x4] =	wrdreg $0xC0  }
0xb1: {  	_ =	task [dreg:s7], $0x5FFFF  }
0xb2: {  	[dreg:$0x1] =	wrdreg $0xFFFFFFFF  }
0xb3: {  	[dreg:$0x0] =	wrdreg $0x60  }
0xb4: {  	[dreg:$0x2] =	wrdreg s16  }
0xb5: {  	[dreg:$0x3] =	wrdreg s24  }
0xb6: {  	[dreg:$0x4] =	wrdreg $0x9  }
0xb7: {  	_ =	task.clear_ibuf [dreg:s7], $0x5FFFF;
	_ =	strace $0x90000046  }
0xb8: {  	s29 =	simm.s32 $0x9;
	_ =	strace $0x80000048  }
0xb9: {  	_ =	swait.ge [sflag:s29], $0x1  }
0xba: {  	[sflag:s29] =	ssyncadd.s32 $0xFFFFFFFF  }
0xbb: {  	_ =	strace $0x90000048  }
0xbc: {  	_ =	sfence  }
0xbd: {  	s30 =	sld [smem:$0x0];
	_ =	sdelay $0x2  }
0xbe: {  	s31 =	sshll.u32 s1, $0xD;
	s1 =	sshrl.u32 s1, $0x2  }
0xbf: {  	s3 =	sand.u32 $0x4000, s31;
	s1 =	sadd.s32 s1, s30  }
0xc0: {  	s0 =	sor.u32 s3, s0;
	s1 =	sshll.u32 s1, $0x11  }
0xc1: {  	s0 =	sor.u32 s1, s0  }
0xc2: {  	s0 =	sadd.s32 $0x8F2B, s0  }
0xc3: {  	[sflag:s0] =	ssyncadd.remote.s32 $0x1  }
0xc4: {  	_ =	sfence.sel $0xFFFF  }
0xc5: {  	[dreg:$0x0] =	wrdreg $0xFFFFFFFF;
	(pc) =	sbr.abs _section_cstart, $3  }
0xc6: {  	[dreg:$0x1] =	wrdreg $0xFFFFFFFF  }
0xc7: {  	_ =	task.clear_ibuf [dreg:s7], $0x2FFFF;
	_ =	strace $0x9FFFFFFF  }
0xc8: {  	(tm) =	ssettm $0x7FFFFFFF  }
0xc9: {  	_ =	shalt  }
tec
execute0_lowered:
.L_overlay_start_1:
0x0: {  	(tag) =	ssettag $0x1  }
0x1: {  	s1 =	srdreg.scid  }
0x2: {  	s0 =	stileid.u32;
	s21 =	sand.u32 $0x1, s1  }
0x3: {  	s30 =	sshll.u32 s0, $0xA;
	s3 =	sshll.u32 s21, $0x9  }
0x4: {  	s2 =	rddreg [dreg:$0x0];
	s9 =	sor.u32 s3, s30  }
0x5: {  	s11 =	rddreg [dreg:$0x1];
	s3 =	simm.s32 $0x0;
	s4 =	sshrl.u32 s9, $0x3  }
0x6: {  	s5 =	simm.s32 $0x5;
	[smem:$0x7FF] =	sst s3;
	s19 =	sadd.s32 s4, s11  }
0x7: {  	s1 =	rddreg [dreg:$0x2];
	_ =	strace $0x80000047;
	s4 =	sadd.s32 $0x1800, s19  }
0x8: {  	[tilespmem:s3], [sflag:$0x5] =	stream.linear.gather [hbm4b:s4+s3], $0x200, $0x38;
	[tilespmem:$0x10400] =	vst v63  }
0x9: {  	_ =	swait.ge [sflag:s5], $0x200  }
0xa: {  	[sflag:s5] =	ssyncset.done $0x0  }
0xb: {  	s6 =	simm.s32 $0x200;
	s7 =	simm.s32 $0x400;
	[sflag:s5] =	ssyncadd.s32 $0xFFFFFE00  }
0xc: {  	[tilespmem:s7], [sflag:$0x1] =	stream.indirect.gather [hbm4b:s2+s6], $0x40, s3, s6, $0xb8;
	[tilespmem:$0x10400] =	vst v63  }
0xd: {  	s8 =	sadd.s32 $0x2000, s19  }
0xe: {  	[tilespmem:s6], [sflag:$0x5] =	stream.linear.gather [hbm4b:s8+s3], $0x200, $0x38;
	[tilespmem:$0x10400] =	vst v63  }
0xf: {  	_ =	swait.ge [sflag:s5], $0x200  }
0x10: {  	s10 =	simm.s32 $0x1;
	[sflag:s5] =	ssyncset.done $0x0  }
0x11: {  	s12 =	sshll.u32 s9, $0x5;
	s9 =	simm.s32 $0x8400;
	[sflag:s5] =	ssyncadd.s32 $0xFFFFFE00  }
0x12: {  	[tilespmem:s9], [sflag:$0x2] =	stream.indirect.gather [hbm4b:s2+s6], $0x40, s6, s6, $0xb8;
	[tilespmem:$0x10400] =	vst v63  }
0x13: {  	s13 =	simm.s32 $0x100;
	_ =	swait.ge [sflag:s10], $0x8000  }
0x14: {  	s14 =	simm.s32 $0x3;
	s22 =	sadd.s32 s12, s11;
	[sflag:s10] =	ssyncset.done $0x0  }
0x15: {  	s12 =	simm.s32 $0x40;
	s11 =	sadd.s32 $0x3800, s22;
	[sflag:s10] =	ssyncadd.s32 $0xFFFF8000  }
0x16: {  	[hbm4b:s11+s12] =	stream.strided.scatter [tilespmem:s7], [sflag:$0x3], $0x8000, s13, s12, $0x38;
	[tilespmem:$0x10400] =	vst v63  }
0x17: {  	_ =	swait.ge [sflag:s14], $0x8000  }
0x18: {  	[sflag:s14] =	ssyncset.done $0x0  }
0x19: {  	s15 =	sadd.s32 $0x2800, s19;
	[sflag:s14] =	ssyncadd.s32 $0xFFFF8000  }
0x1a: {  	[tilespmem:s3], [sflag:$0x5] =	stream.linear.gather [hbm4b:s15+s3], $0x200, $0x38;
	[tilespmem:$0x10400] =	vst v63  }
0x1b: {  	_ =	swait.ge [sflag:s5], $0x200  }
0x1c: {  	[sflag:s5] =	ssyncset.done $0x0  }
0x1d: {  	s16 =	simm.s32 $0x2;
	[sflag:s5] =	ssyncadd.s32 $0xFFFFFE00  }
0x1e: {  	[tilespmem:s7], [sflag:$0x1] =	stream.indirect.gather [hbm4b:s2+s6], $0x40, s3, s6, $0xb8;
	[tilespmem:$0x10400] =	vst v63  }
0x1f: {  	_ =	swait.ge [sflag:s16], $0x8000  }
0x20: {  	[sflag:s16] =	ssyncset.done $0x0  }
0x21: {  	s17 =	simm.s32 $0x4;
	s18 =	sadd.s32 $0x3808, s22;
	[sflag:s16] =	ssyncadd.s32 $0xFFFF8000  }
0x22: {  	[hbm4b:s18+s12] =	stream.strided.scatter [tilespmem:s9], [sflag:$0x4], $0x8000, s13, s12, $0x38;
	[tilespmem:$0x10400] =	vst v63  }
0x23: {  	_ =	swait.ge [sflag:s17], $0x8000  }
0x24: {  	[sflag:s17] =	ssyncset.done $0x0  }
0x25: {  	s19 =	sadd.s32 $0x3000, s19;
	[sflag:s17] =	ssyncadd.s32 $0xFFFF8000  }
0x26: {  	[tilespmem:s6], [sflag:$0x5] =	stream.linear.gather [hbm4b:s19+s3], $0x200, $0x38;
	[tilespmem:$0x10400] =	vst v63  }
0x27: {  	_ =	swait.ge [sflag:s5], $0x200  }
0x28: {  	[sflag:s5] =	ssyncset.done $0x0  }
0x29: {  	[sflag:s5] =	ssyncadd.s32 $0xFFFFFE00  }
0x2a: {  	[tilespmem:s9], [sflag:$0x2] =	stream.indirect.gather [hbm4b:s2+s6], $0x40, s6, s6, $0xb8;
	[tilespmem:$0x10400] =	vst v63  }
0x2b: {  	_ =	swait.ge [sflag:s10], $0x8000  }
0x2c: {  	s23 =	ssub.s32 $0x2, s21;
	[sflag:s10] =	ssyncset.done $0x0  }
0x2d: {  	s31 =	sshrl.u32 s23, $0x1;
	s20 =	sadd.s32 $0x3810, s22;
	[sflag:s10] =	ssyncadd.s32 $0xFFFF8000  }
0x2e: {  	[hbm4b:s20+s12] =	stream.strided.scatter [tilespmem:s7], [sflag:$0x3], $0x8000, s13, s12, $0x38;
	[tilespmem:$0x10400] =	vst v63  }
0x2f: {  	s21 =	sadd.s32 $0x3818, s22;
	s22 =	ssub.s32 s23, s31;
	_ =	swait.ge [sflag:s16], $0x8000  }
0x30: {  	s22 =	smax.u32 s22, $0x1;
	[sflag:s16] =	ssyncset.done $0x0  }
0x31: {  	p0 =	sne.s32 s22, $0x1;
	[sflag:s16] =	ssyncadd.s32 $0xFFFF8000  }
0x32: {  	[hbm4b:s21+s12] =	stream.strided.scatter [tilespmem:s9], [sflag:$0x4], $0x8000, s13, s12, $0x38;
	[tilespmem:$0x10400] =	vst v63  }
.Ltmp0:
0x33: {  	_ =	swait.ge [sflag:s14], $0x8000;
	(pc) =	sbr.rel @!p0 .LBB2_2-.Ltmp0, $4  }
0x34: {  	[sflag:s14] =	ssyncset.done $0x0  }
0x35: {  	[sflag:s14] =	ssyncadd.s32 $0xFFFF8000  }
0x36: {  	_ =	swait.ge [sflag:s17], $0x8000  }
0x37: {  	s22 =	sadd.s32 $0xFFFFFFFF, s22;
	[sflag:s17] =	ssyncset.done $0x0  }
.LBB2_1:
0x38: {  	p0 =	sne.s32 s22, $0x1;
	s22 =	sadd.s32 $0xFFFFFFFF, s22;
	[sflag:s17] =	ssyncadd.s32 $0xFFFF8000  }
0x39: {  	[tilespmem:s3], [sflag:$0x5] =	stream.linear.gather [hbm4b:s4+s3], $0x200, $0x38;
	[tilespmem:$0x10400] =	vst v63  }
0x3a: {  	_ =	swait.ge [sflag:s5], $0x200  }
0x3b: {  	[sflag:s5] =	ssyncset.done $0x0  }
0x3c: {  	[sflag:s5] =	ssyncadd.s32 $0xFFFFFE00  }
0x3d: {  	[tilespmem:s7], [sflag:$0x1] =	stream.indirect.gather [hbm4b:s2+s6], $0x40, s3, s6, $0xb8;
	[tilespmem:$0x10400] =	vst v63  }
0x3e: {  	_ = 	snop  }
0x3f: {  	[tilespmem:s6], [sflag:$0x5] =	stream.linear.gather [hbm4b:s8+s3], $0x200, $0x38;
	[tilespmem:$0x10400] =	vst v63  }
0x40: {  	_ =	swait.ge [sflag:s5], $0x200  }
0x41: {  	[sflag:s5] =	ssyncset.done $0x0  }
0x42: {  	[sflag:s5] =	ssyncadd.s32 $0xFFFFFE00  }
0x43: {  	[tilespmem:s9], [sflag:$0x2] =	stream.indirect.gather [hbm4b:s2+s6], $0x40, s6, s6, $0xb8;
	[tilespmem:$0x10400] =	vst v63  }
0x44: {  	_ =	swait.ge [sflag:s10], $0x8000  }
0x45: {  	[sflag:s10] =	ssyncset.done $0x0  }
0x46: {  	[sflag:s10] =	ssyncadd.s32 $0xFFFF8000  }
0x47: {  	[hbm4b:s11+s12] =	stream.strided.scatter [tilespmem:s7], [sflag:$0x3], $0x8000, s13, s12, $0x38;
	[tilespmem:$0x10400] =	vst v63  }
0x48: {  	_ =	swait.ge [sflag:s14], $0x8000  }
0x49: {  	[sflag:s14] =	ssyncset.done $0x0  }
0x4a: {  	[sflag:s14] =	ssyncadd.s32 $0xFFFF8000  }
0x4b: {  	[tilespmem:s3], [sflag:$0x5] =	stream.linear.gather [hbm4b:s15+s3], $0x200, $0x38;
	[tilespmem:$0x10400] =	vst v63  }
0x4c: {  	_ =	swait.ge [sflag:s5], $0x200  }
0x4d: {  	[sflag:s5] =	ssyncset.done $0x0  }
0x4e: {  	[sflag:s5] =	ssyncadd.s32 $0xFFFFFE00  }
0x4f: {  	[tilespmem:s7], [sflag:$0x1] =	stream.indirect.gather [hbm4b:s2+s6], $0x40, s3, s6, $0xb8;
	[tilespmem:$0x10400] =	vst v63  }
0x50: {  	_ =	swait.ge [sflag:s16], $0x8000  }
0x51: {  	[sflag:s16] =	ssyncset.done $0x0  }
0x52: {  	[sflag:s16] =	ssyncadd.s32 $0xFFFF8000  }
0x53: {  	[hbm4b:s18+s12] =	stream.strided.scatter [tilespmem:s9], [sflag:$0x4], $0x8000, s13, s12, $0x38;
	[tilespmem:$0x10400] =	vst v63  }
0x54: {  	_ =	swait.ge [sflag:s17], $0x8000  }
0x55: {  	[sflag:s17] =	ssyncset.done $0x0  }
0x56: {  	[sflag:s17] =	ssyncadd.s32 $0xFFFF8000  }
0x57: {  	[tilespmem:s6], [sflag:$0x5] =	stream.linear.gather [hbm4b:s19+s3], $0x200, $0x38;
	[tilespmem:$0x10400] =	vst v63  }
0x58: {  	_ =	swait.ge [sflag:s5], $0x200  }
0x59: {  	[sflag:s5] =	ssyncset.done $0x0  }
0x5a: {  	[sflag:s5] =	ssyncadd.s32 $0xFFFFFE00  }
0x5b: {  	[tilespmem:s9], [sflag:$0x2] =	stream.indirect.gather [hbm4b:s2+s6], $0x40, s6, s6, $0xb8;
	[tilespmem:$0x10400] =	vst v63  }
0x5c: {  	_ =	swait.ge [sflag:s10], $0x8000  }
0x5d: {  	[sflag:s10] =	ssyncset.done $0x0  }
0x5e: {  	[sflag:s10] =	ssyncadd.s32 $0xFFFF8000  }
0x5f: {  	[hbm4b:s20+s12] =	stream.strided.scatter [tilespmem:s7], [sflag:$0x3], $0x8000, s13, s12, $0x38;
	[tilespmem:$0x10400] =	vst v63  }
0x60: {  	_ =	swait.ge [sflag:s16], $0x8000  }
0x61: {  	[sflag:s16] =	ssyncset.done $0x0  }
0x62: {  	[sflag:s16] =	ssyncadd.s32 $0xFFFF8000  }
0x63: {  	[hbm4b:s21+s12] =	stream.strided.scatter [tilespmem:s9], [sflag:$0x4], $0x8000, s13, s12, $0x38;
	[tilespmem:$0x10400] =	vst v63  }
.Ltmp1:
0x64: {  	_ =	swait.ge [sflag:s14], $0x8000;
	(pc) =	sbr.rel @p0 .LBB2_1-.Ltmp1, $4  }
0x65: {  	[sflag:s14] =	ssyncset.done $0x0  }
0x66: {  	[sflag:s14] =	ssyncadd.s32 $0xFFFF8000  }
0x67: {  	_ =	swait.ge [sflag:s17], $0x8000  }
0x68: {  	[sflag:s17] =	ssyncset.done $0x0  }
.LBB2_2:
0x69: {  	[sflag:s17] =	ssyncadd.s32 $0xFFFF8000  }
0x6a: {  	_ =	sfence.sel $0x180000  }
0x6b: {  	[bflag:$0x0] =	sbarrier.arrive $0xFFFF  }
0x6c: {  	p0 =	sne.s32 s0, $0x0;
	_ =	strace $0x90000047  }
0x6d: {  	s0 =	sadd.s32 @!p0 $0x100000, s1;
	[bflag:$0x2] =	sbarrier.arrive $0xFFFF  }
0x6e: {  	[sflag:s0] =	ssyncadd.tile.s32 @!p0 $0x1;
	_ =	shalt  }
.Lfunc_end2:
_tile_overlayer_lowered:
.L_overlay_start_2:
0x6f: {  	(tag) =	ssettag $0x2  }
0x70: {  	s0 =	rddreg [dreg:$0x0];
	s2 =	stileid.u32  }
0x71: {  	s1 =	rddreg [dreg:$0x1];
	p0 =	sne.s32 s2, $0x0  }
0x72: {  	s3 =	rddreg [dreg:$0x2];
	[bflag:$0x3] =	sbarrier.arrive $0xFFFF;
	s2 =	simm.s32 @!p0 $0x1C05  }
0x73: {  	[timem:s3], [sflag:s2] =	dma.local @!p0 [hbm:s0], s1  }
0x74: {  	s0 =	simm.s32 @!p0 $0x5  }
0x75: {  	_ =	swait.ge @!p0 [sflag:s0], s1  }
0x76: {  	s1 =	ssub.s32 @!p0 $0x0, s1;
	[sflag:s0] =	ssyncset.done @!p0 $0x0  }
0x77: {  	[sflag:s0] =	ssyncadd.s32 @!p0 s1  }
0x78: {  	[bflag:$0x3] =	sbarrier.arrive $0xFFFF  }
0x79: {  	_ =	shalt  }

</sc_bundles>
